<compile_context>
chip_gen: v7x
topology: tpu7x:2x2x1
jax: 0.10.2.dev20260603
libtpu: 0.0.44.dev20260713+nightly
codegen_flags: <defaults>
</compile_context>

<pallas_src>
import functools

import jax
import jax.numpy as jnp
from jax import lax
from jax.experimental import pallas as pl
from jax.experimental.pallas import tpu as pltpu
from jax.experimental.pallas import tpu_sc as plsc

FEAT = 64
B = 1024
C_DIM = 100000
NW = 32
ROWS_W = 16
COLS_W = 128

COEF = 1.0 / (1.0 + max(5.0, 1500.0 / 1.1))

T1 = 0.7071067818211393
T2 = 1.7948965149208059e-09
T3 = -0.7071067792827723
T4 = -1.0


def _sc_gather_body(w_hbm, tgt_hbm, out_hbm, tgt_v, idx_v, rows_v, sem):
    wid = lax.axis_index("s") * 2 + lax.axis_index("c")

    pltpu.sync_copy(tgt_hbm, tgt_v)

    def build(c, carry):
        f = 2 * wid + c // 64
        val = tgt_v[pl.ds((c % 64) * 16, 16)] + f * C_DIM
        idx_v[c // 8, pl.ds((c % 8) * 16, 16)] = val
        return carry

    lax.fori_loop(0, 128, build, 0)

    def fire(j, carry):
        pltpu.async_copy(w_hbm.at[idx_v.at[j]], rows_v.at[j], sem)
        return carry

    lax.fori_loop(0, ROWS_W, fire, 0)

    def drain(j, carry):
        pltpu.make_async_copy(w_hbm.at[idx_v.at[j]], rows_v.at[j], sem).wait()
        return carry

    lax.fori_loop(0, ROWS_W, drain, 0)

    pltpu.sync_copy(rows_v, out_hbm.at[wid])


@functools.cache
def _sc_gather():
    return pl.kernel(
        _sc_gather_body,
        out_type=jax.ShapeDtypeStruct((NW, ROWS_W, COLS_W), jnp.float32),
        mesh=plsc.VectorSubcoreMesh(core_axis_name="c", subcore_axis_name="s"),
        scratch_types=[
            pltpu.VMEM((B,), jnp.int32),
            pltpu.VMEM((ROWS_W, COLS_W), jnp.int32),
            pltpu.VMEM((ROWS_W, COLS_W), jnp.float32),
            pltpu.SemaphoreType.DMA,
        ],
    )


def _tc_loss_body(x_ref, wt_ref, tcol_ref, trow_ref, out_ref):
    x = x_ref[...]
    wt = wt_ref[...]
    tcol = tcol_ref[...]
    trow = trow_ref[...]

    wnorm = jnp.sqrt(jnp.sum(wt * wt, axis=0, keepdims=True))
    scale = jnp.where(wnorm > 1e-5, 1e-5 / jnp.maximum(wnorm, 1e-30), 1.0) * 1e5
    ww = wt * scale
    wlen = jnp.sqrt(jnp.sum(ww * ww, axis=0, keepdims=True))
    wwn = ww / wlen
    xlen = jnp.sqrt(jnp.sum(x * x, axis=1, keepdims=True))
    xn = x / xlen

    cos = lax.dot_general(
        xn, wwn, (((1,), (0,)), ((), ())),
        precision=lax.Precision.HIGHEST,
        preferred_element_type=jnp.float32,
    )

    cos = jnp.clip(cos, -1.0, 1.0)
    cos2 = cos * cos
    cos_m = 8.0 * cos2 * cos2 - 8.0 * cos2 + 1.0
    k = ((cos <= T1).astype(jnp.float32)
         + (cos <= T2).astype(jnp.float32)
         + (cos <= T3).astype(jnp.float32)
         + (cos <= T4).astype(jnp.float32))
    sign = jnp.where(jnp.mod(k, 2.0) == 0.0, 1.0, -1.0)
    phi = sign * cos_m - 2.0 * k

    mask = (tcol == trow).astype(jnp.float32)
    out = xlen * (cos + mask * ((phi - cos) * COEF))

    m = jnp.max(out, axis=0, keepdims=True)
    lse = m + jnp.log(jnp.sum(jnp.exp(out - m), axis=0, keepdims=True))
    ri = lax.broadcasted_iota(jnp.int32, (B, B), 0)
    ci = lax.broadcasted_iota(jnp.int32, (B, B), 1)
    diag = jnp.sum(jnp.where(ri == ci, out, 0.0), axis=0, keepdims=True)
    logpt = diag - lse
    out_ref[0, 0] = -jnp.mean(logpt)


_tc_loss = pl.pallas_call(
    _tc_loss_body,
    out_shape=jax.ShapeDtypeStruct((1, 1), jnp.float32),
    out_specs=pl.BlockSpec(memory_space=pltpu.SMEM),
)


def kernel(input, target, W):
    w_flat = W.reshape(-1)
    wt = _sc_gather()(w_flat, target).reshape(FEAT, B)
    loss = _tc_loss(input, wt, target.reshape(B, 1), target.reshape(1, B))
    return loss[0, 0]

# --- scband reference (transcript-rebuilt; emitter-appended) ---
"""Pipeline reference for scband-sphere-loss-9990093930665 (READ-ONLY COPY).

The authoritative reference and input builder live on the scoring server;
editing this copy changes nothing except your own understanding.
"""

import jax, jax.numpy as jnp
import numpy as np

GAMMA = 0
M = 4
LAMBDA_MIN = 5.0
LAMBDA_MAX = 1500.0
FEAT_DIM = 64
C_DIM = 100000
BATCH = 1024


def setup_inputs(seed: int = 0) -> dict:
    key = jax.random.key(seed)
    k1, k2, k3 = jax.random.split(key, 3)
    x = jax.random.normal(k1, (BATCH, FEAT_DIM), dtype=jnp.float32)
    target = jax.random.randint(k2, (BATCH,), 0, C_DIM, dtype=jnp.int32)
    W = jax.random.normal(k3, (FEAT_DIM, C_DIM), dtype=jnp.float32)
    return {"input": x, "target": target, "W": W}


def _angle_linear(x, W):
    # torch: ww = w.renorm(2, 1, 1e-5).mul(1e5)  (column-wise renorm then rescale)
    wnorm = jnp.sqrt(jnp.sum(W * W, axis=0, keepdims=True))
    scale = jnp.where(wnorm > 1e-5, 1e-5 / jnp.maximum(wnorm, 1e-30), 1.0) * 1e5
    ww = W * scale
    xlen = jnp.sqrt(jnp.sum(x * x, axis=1))
    wlen = jnp.sqrt(jnp.sum(ww * ww, axis=0))
    cos_theta = (x @ ww) / xlen[:, None] / wlen[None, :]
    cos_theta = jnp.clip(cos_theta, -1.0, 1.0)
    # m = 4: cos(4*theta) = 8x^4 - 8x^2 + 1
    cos_m_theta = 8.0 * cos_theta ** 4 - 8.0 * cos_theta ** 2 + 1.0
    theta = jnp.arccos(jax.lax.stop_gradient(cos_theta))  # torch: cos_theta.data.acos()
    k = jnp.floor(M * theta / 3.14159265)
    n_one_pow_k = jnp.where(jnp.mod(k, 2.0) == 0.0, 1.0, -1.0)
    phi_theta = n_one_pow_k * cos_m_theta - 2.0 * k
    cos_theta = cos_theta * xlen[:, None]
    phi_theta = phi_theta * xlen[:, None]
    return cos_theta, phi_theta


def _sphere_loss(x, W, target):
    it = 1  # first forward call: self.it += 1 -> 1
    lamb = max(LAMBDA_MIN, LAMBDA_MAX / (1.0 + 0.1 * it))
    cos_theta, phi_theta = _angle_linear(x, W)
    B = cos_theta.shape[0]
    rows = jnp.arange(B)
    # index = zeros; index.scatter_(1, target, 1)  -> one-hot mask via scatter-set
    mask = jnp.zeros_like(cos_theta).at[rows, target].set(1.0)
    coef = 1.0 / (1.0 + lamb)
    output = cos_theta - mask * cos_theta * coef + mask * phi_theta * coef
    # NOTE: original code uses dim=0 (over batch) for log_softmax -- kept faithful
    logpt_full = jax.nn.log_softmax(output, axis=0)
    logpt = jnp.take_along_axis(logpt_full, target[:, None], axis=1)[:, 0]
    pt = jnp.exp(jax.lax.stop_gradient(logpt))
    loss = -1.0 * (1.0 - pt) ** GAMMA * logpt
    return jnp.mean(loss)


def reference(input, target, W):
    return _sphere_loss(input, W, target)

if __name__ == "__main__":
    import jax
    _d = setup_inputs()
    print(jax.jit(kernel)(*tuple(_d.values())))

</pallas_src>

<mosaic_0001>
#map = affine_map<(d0, d1) -> (0)>
#map1 = affine_map<(d0, d1) -> (0, 0, 0)>
module attributes {stable_mosaic.version = 14 : i64} {
  func.func @_sc_gather_body(%arg0: i32, %arg1: i32, %arg2: memref<6400000xf32, #tpu.memory_space<hbm>>, %arg3: memref<1024xi32, #tpu.memory_space<hbm>>, %arg4: memref<32x16x128xf32, #tpu.memory_space<hbm>>, %arg5: memref<1024xi32, #tpu.memory_space<vmem>>, %arg6: memref<16x128xi32, #tpu.memory_space<vmem>>, %arg7: memref<16x128xf32, #tpu.memory_space<vmem>>, %arg8: memref<!tpu.dma_semaphore, #tpu.memory_space<semaphore_mem>>) attributes {dimension_semantics = [#tpu.dimension_semantics<core_parallel>, #tpu.dimension_semantics<subcore_parallel>], iteration_bounds = array<i64: 2, 16>, scalar_prefetch = 0 : i64, scratch_operands = 4 : i64, tpu.core_type = #tpu.core_type<sc_vector_subcore>, window_params = [{transform_indices = #map}, {transform_indices = #map}, {transform_indices = #map1}]} {
    %mul3A = arith.constant 2 : i32
    %mul3A_0 = arith.muli %arg1, %mul3A : i32
    %add3A = arith.addi %mul3A_0, %arg0 : i32
    "tpu.region"() ({
      %run_scoped3A = tpu.sem_alloc : memref<!tpu.dma_semaphore, #tpu.memory_space<semaphore_mem>>
      tpu.enqueue_dma source(%arg3 : memref<1024xi32, #tpu.memory_space<hbm>>) target(%arg5 : memref<1024xi32, #tpu.memory_space<vmem>>) target_semaphore(%run_scoped3A : memref<!tpu.dma_semaphore, #tpu.memory_space<semaphore_mem>>)
      tpu.wait_dma2 semaphore(%run_scoped3A : memref<!tpu.dma_semaphore, #tpu.memory_space<semaphore_mem>>) src(%arg3 : memref<1024xi32, #tpu.memory_space<hbm>>) dst(%arg5 : memref<1024xi32, #tpu.memory_space<vmem>>)
      tpu.yield
    }) : () -> ()
    %scan3A = arith.constant 0 : i32
    %scan3A_1 = arith.constant 0 : i32
    %scan3A_2 = arith.constant 128 : i32
    %scan3A_3 = arith.addi %scan3A_1, %scan3A_2 : i32
    %scan3A_4 = arith.constant 1 : i32
    scf.for %scan3A_18 = %scan3A_1 to %scan3A_3 step %scan3A_4  : i32 {
      %mul3A_19 = arith.constant 2 : i32
      %mul3A_20 = arith.muli %mul3A_19, %add3A : i32
      %jit3A = arith.constant 64 : i32
      %div3A = arith.divsi %scan3A_18, %jit3A : i32
      %sign3A = arith.constant 0 : i32
      %sign3A_21 = arith.cmpi sgt, %scan3A_18, %sign3A : i32
      %sign3A_22 = arith.extui %sign3A_21 : i1 to i32
      %sign3A_23 = arith.constant 0 : i32
      %sign3A_24 = arith.cmpi slt, %scan3A_18, %sign3A_23 : i32
      %sign3A_25 = arith.extui %sign3A_24 : i1 to i32
      %sign3A_26 = arith.subi %sign3A_22, %sign3A_25 : i32
      %sign3A_27 = arith.constant 0 : i32
      %sign3A_28 = arith.cmpi sgt, %jit3A, %sign3A_27 : i32
      %sign3A_29 = arith.extui %sign3A_28 : i1 to i32
      %sign3A_30 = arith.constant 0 : i32
      %sign3A_31 = arith.cmpi slt, %jit3A, %sign3A_30 : i32
      %sign3A_32 = arith.extui %sign3A_31 : i1 to i32
      %sign3A_33 = arith.subi %sign3A_29, %sign3A_32 : i32
      %ne3A = arith.cmpi ne, %sign3A_26, %sign3A_33 : i32
      %rem3A = arith.remsi %scan3A_18, %jit3A : i32
      %ne3A_34 = arith.constant 0 : i32
      %ne3A_35 = arith.cmpi ne, %rem3A, %ne3A_34 : i32
      %and3A = arith.andi %ne3A, %ne3A_35 : i1
      %sub3A = arith.constant 1 : i32
      %sub3A_36 = arith.subi %div3A, %sub3A : i32
      %select_n3A = arith.select %and3A, %sub3A_36, %div3A : i32
      %add3A_37 = arith.addi %mul3A_20, %select_n3A : i32
      %jit3A_38 = arith.constant 64 : i32
      %eq3A = arith.constant 0 : i32
      %eq3A_39 = arith.cmpi eq, %jit3A_38, %eq3A : i32
      %jit3A_40 = arith.constant 1 : i32
      %select_n3A_41 = arith.select %eq3A_39, %jit3A_40, %jit3A_38 : i32
      %rem3A_42 = arith.remsi %scan3A_18, %select_n3A_41 : i32
      %ne3A_43 = arith.constant 0 : i32
      %ne3A_44 = arith.cmpi ne, %rem3A_42, %ne3A_43 : i32
      %lt3A = arith.constant 0 : i32
      %lt3A_45 = arith.cmpi slt, %rem3A_42, %lt3A : i32
      %lt3A_46 = arith.constant 0 : i32
      %lt3A_47 = arith.cmpi slt, %select_n3A_41, %lt3A_46 : i32
      %ne3A_48 = arith.xori %lt3A_45, %lt3A_47 : i1
      %and3A_49 = arith.andi %ne3A_48, %ne3A_44 : i1
      %add3A_50 = arith.addi %rem3A_42, %select_n3A_41 : i32
      %select_n3A_51 = arith.select %and3A_49, %add3A_50, %rem3A_42 : i32
      %mul3A_52 = arith.constant 16 : i32
      %mul3A_53 = arith.muli %select_n3A_51, %mul3A_52 : i32
      %get3A = arith.index_cast %mul3A_53 : i32 to index
      %get3A_54 = tpu.vector_load %arg5[%get3A] {strides = array<i32>} : memref<1024xi32, #tpu.memory_space<vmem>>, vector<16xi32>,
      %get3A_55 = vector.shape_cast %get3A_54 : vector<16xi32> to vector<16xi32>
      %mul3A_56 = arith.constant 100000 : i32
      %mul3A_57 = arith.muli %add3A_37, %mul3A_56 : i32
      %add3A_58 = vector.broadcast %mul3A_57 : i32 to vector<16xi32>
      %add3A_59 = arith.addi %get3A_55, %add3A_58 : vector<16xi32>
      %jit3A_60 = arith.constant 8 : i32
      %div3A_61 = arith.divsi %scan3A_18, %jit3A_60 : i32
      %sign3A_62 = arith.constant 0 : i32
      %sign3A_63 = arith.cmpi sgt, %scan3A_18, %sign3A_62 : i32
      %sign3A_64 = arith.extui %sign3A_63 : i1 to i32
      %sign3A_65 = arith.constant 0 : i32
      %sign3A_66 = arith.cmpi slt, %scan3A_18, %sign3A_65 : i32
      %sign3A_67 = arith.extui %sign3A_66 : i1 to i32
      %sign3A_68 = arith.subi %sign3A_64, %sign3A_67 : i32
      %sign3A_69 = arith.constant 0 : i32
      %sign3A_70 = arith.cmpi sgt, %jit3A_60, %sign3A_69 : i32
      %sign3A_71 = arith.extui %sign3A_70 : i1 to i32
      %sign3A_72 = arith.constant 0 : i32
      %sign3A_73 = arith.cmpi slt, %jit3A_60, %sign3A_72 : i32
      %sign3A_74 = arith.extui %sign3A_73 : i1 to i32
      %sign3A_75 = arith.subi %sign3A_71, %sign3A_74 : i32
      %ne3A_76 = arith.cmpi ne, %sign3A_68, %sign3A_75 : i32
      %rem3A_77 = arith.remsi %scan3A_18, %jit3A_60 : i32
      %ne3A_78 = arith.constant 0 : i32
      %ne3A_79 = arith.cmpi ne, %rem3A_77, %ne3A_78 : i32
      %and3A_80 = arith.andi %ne3A_76, %ne3A_79 : i1
      %sub3A_81 = arith.constant 1 : i32
      %sub3A_82 = arith.subi %div3A_61, %sub3A_81 : i32
      %select_n3A_83 = arith.select %and3A_80, %sub3A_82, %div3A_61 : i32
      %jit3A_84 = arith.constant 8 : i32
      %eq3A_85 = arith.constant 0 : i32
      %eq3A_86 = arith.cmpi eq, %jit3A_84, %eq3A_85 : i32
      %jit3A_87 = arith.constant 1 : i32
      %select_n3A_88 = arith.select %eq3A_86, %jit3A_87, %jit3A_84 : i32
      %rem3A_89 = arith.remsi %scan3A_18, %select_n3A_88 : i32
      %ne3A_90 = arith.constant 0 : i32
      %ne3A_91 = arith.cmpi ne, %rem3A_89, %ne3A_90 : i32
      %lt3A_92 = arith.constant 0 : i32
      %lt3A_93 = arith.cmpi slt, %rem3A_89, %lt3A_92 : i32
      %lt3A_94 = arith.constant 0 : i32
      %lt3A_95 = arith.cmpi slt, %select_n3A_88, %lt3A_94 : i32
      %ne3A_96 = arith.xori %lt3A_93, %lt3A_95 : i1
      %and3A_97 = arith.andi %ne3A_96, %ne3A_91 : i1
      %add3A_98 = arith.addi %rem3A_89, %select_n3A_88 : i32
      %select_n3A_99 = arith.select %and3A_97, %add3A_98, %rem3A_89 : i32
      %mul3A_100 = arith.constant 16 : i32
      %mul3A_101 = arith.muli %select_n3A_99, %mul3A_100 : i32
      %swap3A = arith.index_cast %select_n3A_83 : i32 to index
      %swap3A_102 = arith.index_cast %mul3A_101 : i32 to index
      %swap3A_103 = tpu.vector_load %arg6[%swap3A, %swap3A_102] {strides = array<i32>} : memref<16x128xi32, #tpu.memory_space<vmem>>, vector<1x16xi32>,
      %swap3A_104 = vector.shape_cast %swap3A_103 : vector<1x16xi32> to vector<16xi32>
      %swap3A_105 = vector.shape_cast %add3A_59 : vector<16xi32> to vector<1x16xi32>
      tpu.vector_store %arg6[%swap3A, %swap3A_102], %swap3A_105 {strides = array<i32>} : memref<16x128xi32, #tpu.memory_space<vmem>>, vector<1x16xi32>,
    }
    %scan3A_5 = arith.constant 128 : i32
    %scan3A_6 = arith.constant 0 : i32
    %scan3A_7 = arith.constant 0 : i32
    %scan3A_8 = arith.constant 16 : i32
    %scan3A_9 = arith.addi %scan3A_7, %scan3A_8 : i32
    %scan3A_10 = arith.constant 1 : i32
    scf.for %scan3A_18 = %scan3A_7 to %scan3A_9 step %scan3A_10  : i32 {
      %dma_start3A = arith.constant 0 : i32
      %dma_start3A_19 = tpu.memref_slice %arg7[%scan3A_18, %dma_start3A] : memref<16x128xf32, #tpu.memory_space<vmem>> -> memref<1x128xf32, #tpu.memory_space<vmem>>
      %dma_start3A_20 = tpu.memref_squeeze %dma_start3A_19 : memref<1x128xf32, #tpu.memory_space<vmem>> -> memref<128xf32, #tpu.memory_space<vmem>>
      %dma_start3A_21 = arith.constant 0 : i32
      %dma_start3A_22 = tpu.memref_slice %arg6[%scan3A_18, %dma_start3A_21] : memref<16x128xi32, #tpu.memory_space<vmem>> -> memref<1x128xi32, #tpu.memory_space<vmem>>
      %dma_start3A_23 = tpu.memref_squeeze %dma_start3A_22 : memref<1x128xi32, #tpu.memory_space<vmem>> -> memref<128xi32, #tpu.memory_space<vmem>>
      %dma_start3A_24 = arith.constant 0 : i32
      %dma_start3A_25 = tpu.memref_slice %arg2[%dma_start3A_24] : memref<6400000xf32, #tpu.memory_space<hbm>> -> memref<6400000xf32, #tpu.memory_space<hbm>>
      tpu.enqueue_indirect_dma source(%dma_start3A_25 : memref<6400000xf32, #tpu.memory_space<hbm>>) target(%dma_start3A_20 : memref<128xf32, #tpu.memory_space<vmem>>) offsets(%dma_start3A_23 : memref<128xi32, #tpu.memory_space<vmem>>) semaphore(%arg8 : memref<!tpu.dma_semaphore, #tpu.memory_space<semaphore_mem>>)
    }
    %scan3A_11 = arith.constant 16 : i32
    %scan3A_12 = arith.constant 0 : i32
    %scan3A_13 = arith.constant 0 : i32
    %scan3A_14 = arith.constant 16 : i32
    %scan3A_15 = arith.addi %scan3A_13, %scan3A_14 : i32
    %scan3A_16 = arith.constant 1 : i32
    scf.for %scan3A_18 = %scan3A_13 to %scan3A_15 step %scan3A_16  : i32 {
      %dma_wait3A = arith.constant 0 : i32
      %dma_wait3A_19 = tpu.memref_slice %arg7[%scan3A_18, %dma_wait3A] : memref<16x128xf32, #tpu.memory_space<vmem>> -> memref<1x128xf32, #tpu.memory_space<vmem>>
      %dma_wait3A_20 = tpu.memref_squeeze %dma_wait3A_19 : memref<1x128xf32, #tpu.memory_space<vmem>> -> memref<128xf32, #tpu.memory_space<vmem>>
      %dma_wait3A_21 = arith.constant 0 : i32
      %dma_wait3A_22 = tpu.memref_slice %arg6[%scan3A_18, %dma_wait3A_21] : memref<16x128xi32, #tpu.memory_space<vmem>> -> memref<1x128xi32, #tpu.memory_space<vmem>>
      %dma_wait3A_23 = tpu.memref_squeeze %dma_wait3A_22 : memref<1x128xi32, #tpu.memory_space<vmem>> -> memref<128xi32, #tpu.memory_space<vmem>>
      %dma_wait3A_24 = arith.constant 0 : i32
      %dma_wait3A_25 = tpu.memref_slice %arg2[%dma_wait3A_24] : memref<6400000xf32, #tpu.memory_space<hbm>> -> memref<6400000xf32, #tpu.memory_space<hbm>>
      tpu.wait_indirect_dma semaphore(%arg8 : memref<!tpu.dma_semaphore, #tpu.memory_space<semaphore_mem>>) src(%dma_wait3A_25 : memref<6400000xf32, #tpu.memory_space<hbm>>) dst(%dma_wait3A_20 : memref<128xf32, #tpu.memory_space<vmem>>)
    }
    %scan3A_17 = arith.constant 16 : i32
    "tpu.region"() ({
      %run_scoped3A = tpu.sem_alloc : memref<!tpu.dma_semaphore, #tpu.memory_space<semaphore_mem>>
      %dma_start3A = arith.constant 0 : i32
      %dma_start3A_18 = arith.constant 0 : i32
      %dma_start3A_19 = tpu.memref_slice %arg4[%add3A, %dma_start3A, %dma_start3A_18] : memref<32x16x128xf32, #tpu.memory_space<hbm>> -> memref<1x16x128xf32, #tpu.memory_space<hbm>>
      %dma_start3A_20 = tpu.memref_squeeze %dma_start3A_19 : memref<1x16x128xf32, #tpu.memory_space<hbm>> -> memref<16x128xf32, #tpu.memory_space<hbm>>
      %dma_start3A_21 = arith.constant 0 : i32
      %dma_start3A_22 = arith.constant 0 : i32
      %dma_start3A_23 = tpu.memref_slice %arg4[%add3A, %dma_start3A_21, %dma_start3A_22] : memref<32x16x128xf32, #tpu.memory_space<hbm>> -> memref<1x16x128xf32, #tpu.memory_space<hbm>>
      %dma_start3A_24 = tpu.memref_squeeze %dma_start3A_23 : memref<1x16x128xf32, #tpu.memory_space<hbm>> -> memref<16x128xf32, #tpu.memory_space<hbm>>
      tpu.enqueue_dma source(%arg7 : memref<16x128xf32, #tpu.memory_space<vmem>>) target(%dma_start3A_24 : memref<16x128xf32, #tpu.memory_space<hbm>>) target_semaphore(%run_scoped3A : memref<!tpu.dma_semaphore, #tpu.memory_space<semaphore_mem>>)
      %dma_wait3A = arith.constant 0 : i32
      %dma_wait3A_25 = arith.constant 0 : i32
      %dma_wait3A_26 = tpu.memref_slice %arg4[%add3A, %dma_wait3A, %dma_wait3A_25] : memref<32x16x128xf32, #tpu.memory_space<hbm>> -> memref<1x16x128xf32, #tpu.memory_space<hbm>>
      %dma_wait3A_27 = tpu.memref_squeeze %dma_wait3A_26 : memref<1x16x128xf32, #tpu.memory_space<hbm>> -> memref<16x128xf32, #tpu.memory_space<hbm>>
      %dma_wait3A_28 = arith.constant 0 : i32
      %dma_wait3A_29 = arith.constant 0 : i32
      %dma_wait3A_30 = tpu.memref_slice %arg4[%add3A, %dma_wait3A_28, %dma_wait3A_29] : memref<32x16x128xf32, #tpu.memory_space<hbm>> -> memref<1x16x128xf32, #tpu.memory_space<hbm>>
      %dma_wait3A_31 = tpu.memref_squeeze %dma_wait3A_30 : memref<1x16x128xf32, #tpu.memory_space<hbm>> -> memref<16x128xf32, #tpu.memory_space<hbm>>
      tpu.wait_dma2 semaphore(%run_scoped3A : memref<!tpu.dma_semaphore, #tpu.memory_space<semaphore_mem>>) src(%arg7 : memref<16x128xf32, #tpu.memory_space<vmem>>) dst(%dma_wait3A_31 : memref<16x128xf32, #tpu.memory_space<hbm>>)
      tpu.yield
    }) : () -> ()
    return
  }
}

module attributes {stable_mosaic.version = 14 : i64} {
  func.func @_tc_loss_body(%arg0: memref<1024x64xf32, #tpu.memory_space<vmem>>, %arg1: memref<64x1024xf32, #tpu.memory_space<vmem>>, %arg2: memref<1024x1xi32, #tpu.memory_space<vmem>>, %arg3: memref<1x1024xi32, #tpu.memory_space<vmem>>, %arg4: memref<1x1xf32, #tpu.memory_space<smem>>) attributes {dimension_semantics = [], scalar_prefetch = 0 : i64, scratch_operands = 0 : i64, tpu.core_type = #tpu.core_type<tc>} {
    %get3A = arith.constant 0 : index
    %get3A_0 = arith.constant 0 : index
    %get3A_1 = vector.load %arg0[%get3A, %get3A_0] : memref<1024x64xf32, #tpu.memory_space<vmem>>, vector<1024x64xf32>
    %get3A_2 = arith.constant 0 : index
    %get3A_3 = arith.constant 0 : index
    %get3A_4 = vector.load %arg1[%get3A_2, %get3A_3] : memref<64x1024xf32, #tpu.memory_space<vmem>>, vector<64x1024xf32>
    %get3A_5 = arith.constant 0 : index
    %get3A_6 = arith.constant 0 : index
    %get3A_7 = vector.load %arg2[%get3A_5, %get3A_6] : memref<1024x1xi32, #tpu.memory_space<vmem>>, vector<1024x1xi32>
    %get3A_8 = arith.constant 0 : index
    %get3A_9 = arith.constant 0 : index
    %get3A_10 = vector.load %arg3[%get3A_8, %get3A_9] : memref<1x1024xi32, #tpu.memory_space<vmem>>, vector<1x1024xi32>
    %mul3A = arith.mulf %get3A_4, %get3A_4 : vector<64x1024xf32>
    %reduce_sum3A = arith.constant dense<0.000000e+00> : vector<1024xf32>
    %reduce_sum3A_11 = vector.multi_reduction <add>, %mul3A, %reduce_sum3A [0] : vector<64x1024xf32> to vector<1024xf32>
    %broadcast_in_dim3A = vector.shape_cast %reduce_sum3A_11 : vector<1024xf32> to vector<1x1024xf32>
    %sqrt3A = math.sqrt %broadcast_in_dim3A : vector<1x1024xf32>
    %gt3A = arith.constant 9.99999974E-6 : f32
    %gt3A_12 = vector.broadcast %gt3A : f32 to vector<1x1024xf32>
    %gt3A_13 = arith.cmpf ogt, %sqrt3A, %gt3A_12 : vector<1x1024xf32>
    %max3A = arith.constant 1.000000e-30 : f32
    %max3A_14 = vector.broadcast %max3A : f32 to vector<1x1024xf32>
    %max3A_15 = arith.maximumf %sqrt3A, %max3A_14 : vector<1x1024xf32>
    %div3A = arith.constant 9.99999974E-6 : f32
    %div3A_16 = vector.broadcast %div3A : f32 to vector<1x1024xf32>
    %div3A_17 = arith.divf %div3A_16, %max3A_15 : vector<1x1024xf32>
    %jit3A = arith.constant 1.000000e+00 : f32
    %broadcast_in_dim3A_18 = vector.broadcast %jit3A : f32 to vector<1x1024xf32>
    %select_n3A = arith.select %gt3A_13, %div3A_17, %broadcast_in_dim3A_18 : vector<1x1024xi1>, vector<1x1024xf32>
    %mul3A_19 = arith.constant 1.000000e+05 : f32
    %mul3A_20 = vector.broadcast %mul3A_19 : f32 to vector<1x1024xf32>
    %mul3A_21 = arith.mulf %select_n3A, %mul3A_20 : vector<1x1024xf32>
    %mul3A_22 = vector.broadcast %mul3A_21 : vector<1x1024xf32> to vector<64x1024xf32>
    %mul3A_23 = arith.mulf %get3A_4, %mul3A_22 : vector<64x1024xf32>
    %mul3A_24 = arith.mulf %mul3A_23, %mul3A_23 : vector<64x1024xf32>
    %reduce_sum3A_25 = arith.constant dense<0.000000e+00> : vector<1024xf32>
    %reduce_sum3A_26 = vector.multi_reduction <add>, %mul3A_24, %reduce_sum3A_25 [0] : vector<64x1024xf32> to vector<1024xf32>
    %broadcast_in_dim3A_27 = vector.shape_cast %reduce_sum3A_26 : vector<1024xf32> to vector<1x1024xf32>
    %sqrt3A_28 = math.sqrt %broadcast_in_dim3A_27 : vector<1x1024xf32>
    %div3A_29 = vector.broadcast %sqrt3A_28 : vector<1x1024xf32> to vector<64x1024xf32>
    %div3A_30 = arith.divf %mul3A_23, %div3A_29 : vector<64x1024xf32>
    %mul3A_31 = arith.mulf %get3A_1, %get3A_1 : vector<1024x64xf32>
    %reduce_sum3A_32 = arith.constant dense<0.000000e+00> : vector<1024xf32>
    %reduce_sum3A_33 = vector.multi_reduction <add>, %mul3A_31, %reduce_sum3A_32 [1] : vector<1024x64xf32> to vector<1024xf32>
    %broadcast_in_dim3A_34 = vector.shape_cast %reduce_sum3A_33 : vector<1024xf32> to vector<1024x1xf32>
    %sqrt3A_35 = math.sqrt %broadcast_in_dim3A_34 : vector<1024x1xf32>
    %div3A_36 = vector.broadcast %sqrt3A_35 : vector<1024x1xf32> to vector<1024x64xf32>
    %div3A_37 = arith.divf %get3A_1, %div3A_36 : vector<1024x64xf32>
    %dot_general3A = arith.constant dense<0.000000e+00> : vector<1024x1024xf32>
    %dot_general3A_38 = tpu.matmul %div3A_37, %div3A_30, %dot_general3A {dimension_numbers = #tpu.dot_dimension_numbers<[1], [0], [0], [1], [0, 0, 1, 1], [], []>, precision = #tpu.contract_precision<fp32>, transpose_lhs_hint = false} : vector<1024x64xf32>, vector<64x1024xf32>, vector<1024x1024xf32> -> vector<1024x1024xf32>
    %jit3A_39 = arith.constant -1.000000e+00 : f32
    %jit3A_40 = arith.constant 1.000000e+00 : f32
    %max3A_41 = vector.broadcast %jit3A_39 : f32 to vector<1024x1024xf32>
    %max3A_42 = arith.maximumf %max3A_41, %dot_general3A_38 : vector<1024x1024xf32>
    %min3A = vector.broadcast %jit3A_40 : f32 to vector<1024x1024xf32>
    %min3A_43 = arith.minimumf %min3A, %max3A_42 : vector<1024x1024xf32>
    %mul3A_44 = arith.mulf %min3A_43, %min3A_43 : vector<1024x1024xf32>
    %mul3A_45 = arith.constant 8.000000e+00 : f32
    %mul3A_46 = vector.broadcast %mul3A_45 : f32 to vector<1024x1024xf32>
    %mul3A_47 = arith.mulf %mul3A_46, %mul3A_44 : vector<1024x1024xf32>
    %mul3A_48 = arith.mulf %mul3A_47, %mul3A_44 : vector<1024x1024xf32>
    %mul3A_49 = arith.constant 8.000000e+00 : f32
    %mul3A_50 = vector.broadcast %mul3A_49 : f32 to vector<1024x1024xf32>
    %mul3A_51 = arith.mulf %mul3A_50, %mul3A_44 : vector<1024x1024xf32>
    %sub3A = arith.subf %mul3A_48, %mul3A_51 : vector<1024x1024xf32>
    %add3A = arith.constant 1.000000e+00 : f32
    %add3A_52 = vector.broadcast %add3A : f32 to vector<1024x1024xf32>
    %add3A_53 = arith.addf %sub3A, %add3A_52 : vector<1024x1024xf32>
    %le3A = arith.constant 0.707106769 : f32
    %le3A_54 = vector.broadcast %le3A : f32 to vector<1024x1024xf32>
    %le3A_55 = arith.cmpf ole, %min3A_43, %le3A_54 : vector<1024x1024xf32>
    %convert_element_type3A = arith.extui %le3A_55 : vector<1024x1024xi1> to vector<1024x1024xi32>
    %convert_element_type3A_56 = arith.sitofp %convert_element_type3A : vector<1024x1024xi32> to vector<1024x1024xf32>
    %le3A_57 = arith.constant 1.79489656E-9 : f32
    %le3A_58 = vector.broadcast %le3A_57 : f32 to vector<1024x1024xf32>
    %le3A_59 = arith.cmpf ole, %min3A_43, %le3A_58 : vector<1024x1024xf32>
    %convert_element_type3A_60 = arith.extui %le3A_59 : vector<1024x1024xi1> to vector<1024x1024xi32>
    %convert_element_type3A_61 = arith.sitofp %convert_element_type3A_60 : vector<1024x1024xi32> to vector<1024x1024xf32>
    %add3A_62 = arith.addf %convert_element_type3A_56, %convert_element_type3A_61 : vector<1024x1024xf32>
    %le3A_63 = arith.constant -0.707106769 : f32
    %le3A_64 = vector.broadcast %le3A_63 : f32 to vector<1024x1024xf32>
    %le3A_65 = arith.cmpf ole, %min3A_43, %le3A_64 : vector<1024x1024xf32>
    %convert_element_type3A_66 = arith.extui %le3A_65 : vector<1024x1024xi1> to vector<1024x1024xi32>
    %convert_element_type3A_67 = arith.sitofp %convert_element_type3A_66 : vector<1024x1024xi32> to vector<1024x1024xf32>
    %add3A_68 = arith.addf %add3A_62, %convert_element_type3A_67 : vector<1024x1024xf32>
    %le3A_69 = arith.constant -1.000000e+00 : f32
    %le3A_70 = vector.broadcast %le3A_69 : f32 to vector<1024x1024xf32>
    %le3A_71 = arith.cmpf ole, %min3A_43, %le3A_70 : vector<1024x1024xf32>
    %convert_element_type3A_72 = arith.extui %le3A_71 : vector<1024x1024xi1> to vector<1024x1024xi32>
    %convert_element_type3A_73 = arith.sitofp %convert_element_type3A_72 : vector<1024x1024xi32> to vector<1024x1024xf32>
    %add3A_74 = arith.addf %add3A_68, %convert_element_type3A_73 : vector<1024x1024xf32>
    %jit3A_75 = arith.constant 2.000000e+00 : f32
    %rem3A = vector.broadcast %jit3A_75 : f32 to vector<1024x1024xf32>
    %rem3A_76 = arith.remf %add3A_74, %rem3A : vector<1024x1024xf32>
    %ne3A = arith.constant 0.000000e+00 : f32
    %ne3A_77 = vector.broadcast %ne3A : f32 to vector<1024x1024xf32>
    %ne3A_78 = arith.cmpf one, %rem3A_76, %ne3A_77 : vector<1024x1024xf32>
    %lt3A = arith.constant 0.000000e+00 : f32
    %lt3A_79 = vector.broadcast %lt3A : f32 to vector<1024x1024xf32>
    %lt3A_80 = arith.cmpf olt, %rem3A_76, %lt3A_79 : vector<1024x1024xf32>
    %lt3A_81 = arith.constant 0.000000e+00 : f32
    %lt3A_82 = arith.cmpf olt, %jit3A_75, %lt3A_81 : f32
    %ne3A_83 = vector.broadcast %lt3A_82 : i1 to vector<1024x1024xi1>
    %ne3A_84 = vector.broadcast %ne3A_83 : vector<1024x1024xi1> to vector<1024x1024xi1>
    %ne3A_85 = arith.xori %lt3A_80, %ne3A_84 : vector<1024x1024xi1>
    %and3A = arith.andi %ne3A_85, %ne3A_78 : vector<1024x1024xi1>
    %add3A_86 = vector.broadcast %jit3A_75 : f32 to vector<1024x1024xf32>
    %add3A_87 = arith.addf %rem3A_76, %add3A_86 : vector<1024x1024xf32>
    %select_n3A_88 = arith.select %and3A, %add3A_87, %rem3A_76 : vector<1024x1024xi1>, vector<1024x1024xf32>
    %eq3A = arith.constant 0.000000e+00 : f32
    %eq3A_89 = vector.broadcast %eq3A : f32 to vector<1024x1024xf32>
    %eq3A_90 = arith.cmpf oeq, %select_n3A_88, %eq3A_89 : vector<1024x1024xf32>
    %jit3A_91 = arith.constant 1.000000e+00 : f32
    %jit3A_92 = arith.constant -1.000000e+00 : f32
    %broadcast_in_dim3A_93 = vector.broadcast %jit3A_91 : f32 to vector<1024x1024xf32>
    %broadcast_in_dim3A_94 = vector.broadcast %jit3A_92 : f32 to vector<1024x1024xf32>
    %select_n3A_95 = arith.select %eq3A_90, %broadcast_in_dim3A_93, %broadcast_in_dim3A_94 : vector<1024x1024xi1>, vector<1024x1024xf32>
    %mul3A_96 = arith.mulf %select_n3A_95, %add3A_53 : vector<1024x1024xf32>
    %mul3A_97 = arith.constant 2.000000e+00 : f32
    %mul3A_98 = vector.broadcast %mul3A_97 : f32 to vector<1024x1024xf32>
    %mul3A_99 = arith.mulf %mul3A_98, %add3A_74 : vector<1024x1024xf32>
    %sub3A_100 = arith.subf %mul3A_96, %mul3A_99 : vector<1024x1024xf32>
    %eq3A_101 = vector.broadcast %get3A_7 : vector<1024x1xi32> to vector<1024x1024xi32>
    %eq3A_102 = vector.broadcast %get3A_10 : vector<1x1024xi32> to vector<1024x1024xi32>
    %eq3A_103 = arith.cmpi eq, %eq3A_101, %eq3A_102 : vector<1024x1024xi32>
    %convert_element_type3A_104 = arith.extui %eq3A_103 : vector<1024x1024xi1> to vector<1024x1024xi32>
    %convert_element_type3A_105 = arith.sitofp %convert_element_type3A_104 : vector<1024x1024xi32> to vector<1024x1024xf32>
    %sub3A_106 = arith.subf %sub3A_100, %min3A_43 : vector<1024x1024xf32>
    %mul3A_107 = arith.constant 7.327960e-04 : f32
    %mul3A_108 = vector.broadcast %mul3A_107 : f32 to vector<1024x1024xf32>
    %mul3A_109 = arith.mulf %sub3A_106, %mul3A_108 : vector<1024x1024xf32>
    %mul3A_110 = arith.mulf %convert_element_type3A_105, %mul3A_109 : vector<1024x1024xf32>
    %add3A_111 = arith.addf %min3A_43, %mul3A_110 : vector<1024x1024xf32>
    %mul3A_112 = vector.broadcast %sqrt3A_35 : vector<1024x1xf32> to vector<1024x1024xf32>
    %mul3A_113 = arith.mulf %mul3A_112, %add3A_111 : vector<1024x1024xf32>
    %reduce_max3A = arith.constant dense<0xFF800000> : vector<1024xf32>
    %reduce_max3A_114 = vector.multi_reduction <maximumf>, %mul3A_113, %reduce_max3A [0] : vector<1024x1024xf32> to vector<1024xf32>
    %broadcast_in_dim3A_115 = vector.shape_cast %reduce_max3A_114 : vector<1024xf32> to vector<1x1024xf32>
    %sub3A_116 = vector.broadcast %broadcast_in_dim3A_115 : vector<1x1024xf32> to vector<1024x1024xf32>
    %sub3A_117 = arith.subf %mul3A_113, %sub3A_116 : vector<1024x1024xf32>
    %exp3A = math.exp %sub3A_117 : vector<1024x1024xf32>
    %reduce_sum3A_118 = arith.constant dense<0.000000e+00> : vector<1024xf32>
    %reduce_sum3A_119 = vector.multi_reduction <add>, %exp3A, %reduce_sum3A_118 [0] : vector<1024x1024xf32> to vector<1024xf32>
    %broadcast_in_dim3A_120 = vector.shape_cast %reduce_sum3A_119 : vector<1024xf32> to vector<1x1024xf32>
    %log3A = math.log %broadcast_in_dim3A_120 : vector<1x1024xf32>
    %add3A_121 = arith.addf %broadcast_in_dim3A_115, %log3A : vector<1x1024xf32>
    %iota3A = tpu.iota {dimensions = array<i32: 0>} : vector<1024x1024xi32>
    %iota3A_122 = tpu.iota {dimensions = array<i32: 1>} : vector<1024x1024xi32>
    %eq3A_123 = arith.cmpi eq, %iota3A, %iota3A_122 : vector<1024x1024xi32>
    %jit3A_124 = arith.constant 0.000000e+00 : f32
    %broadcast_in_dim3A_125 = vector.broadcast %jit3A_124 : f32 to vector<1024x1024xf32>
    %select_n3A_126 = arith.select %eq3A_123, %mul3A_113, %broadcast_in_dim3A_125 : vector<1024x1024xi1>, vector<1024x1024xf32>
    %reduce_sum3A_127 = arith.constant dense<0.000000e+00> : vector<1024xf32>
    %reduce_sum3A_128 = vector.multi_reduction <add>, %select_n3A_126, %reduce_sum3A_127 [0] : vector<1024x1024xf32> to vector<1024xf32>
    %broadcast_in_dim3A_129 = vector.shape_cast %reduce_sum3A_128 : vector<1024xf32> to vector<1x1024xf32>
    %sub3A_130 = arith.subf %broadcast_in_dim3A_129, %add3A_121 : vector<1x1024xf32>
    %reduce_sum3A_131 = vector.shape_cast %sub3A_130 : vector<1x1024xf32> to vector<1x1x1024xf32>
    %reduce_sum3A_132 = arith.constant dense<0.000000e+00> : vector<1xf32>
    %reduce_sum3A_133 = vector.multi_reduction <add>, %reduce_sum3A_131, %reduce_sum3A_132 [1, 2] : vector<1x1x1024xf32> to vector<1xf32>
    %reduce_sum3A_134 = vector.shape_cast %reduce_sum3A_133 : vector<1xf32> to vector<1x1x1xf32>
    %reduce_sum3A_135 = vector.extract %reduce_sum3A_134[0, 0, 0] : f32 from vector<1x1x1xf32>
    %div3A_136 = arith.constant 1.024000e+03 : f32
    %div3A_137 = arith.divf %reduce_sum3A_135, %div3A_136 : f32
    %neg3A = arith.constant 0.000000e+00 : f32
    %neg3A_138 = arith.subf %neg3A, %div3A_137 : f32
    %swap3A = arith.constant 0 : index
    %swap3A_139 = arith.constant 0 : index
    %swap3A_140 = memref.load %arg4[%swap3A, %swap3A_139] : memref<1x1xf32, #tpu.memory_space<smem>>
    memref.store %neg3A_138, %arg4[%swap3A, %swap3A_139] : memref<1x1xf32, #tpu.memory_space<smem>>
    return
  }
}

</mosaic_0001>

<sc_bundles>
// kernel: kernel.4.cloned.1.call-start
scs
__scs_entry_jumppad:
0x0: {  	(pc) =	sbr.rel $0x88, $3  }
0x1: {  	(tag) =	ssettag $0x0;
	lr =	simm.s32 $0x1  }
0x2: {  	[smem:$0x3F9E] =	sst lr;
	_ =	strace $0xD0000000  }
0x3: {  	_ = 	snop  }
0x4: {  	_ = 	snop  }
0x5: {  	_ = 	snop  }
0x6: {  	_ = 	snop  }
0x7: {  	_ = 	snop  }
__scs_overlays_trampoline_lowered:
0x8: {  	[smem:$0x3FAD] =	sst s0  }
0x9: {  	[smem:$0x3FAE] =	sst s1  }
0xa: {  	[smem:$0x3FAF] =	sst s2  }
0xb: {  	[smem:$0x3FB0] =	sst s3  }
0xc: {  	[smem:$0x3FB1] =	sst s4  }
0xd: {  	[smem:$0x3FB2] =	sst s5  }
0xe: {  	[smem:$0x3FB3] =	sst s6  }
0xf: {  	[smem:$0x3FB4] =	sst s7  }
0x10: {  	[smem:$0x3FB5] =	sst s8  }
0x11: {  	[smem:$0x3FB6] =	sst s9;
	s0 =	simm.s32 @!p0 $0x0  }
0x12: {  	s1 =	sld [smem:$0x3F9C];
	s0 =	simm.s32 @p0 $0x1  }
0x13: {  	[smem:$0x3FB7] =	sst s0;
	s0 =	simm.s32 @!p1 $0x0  }
0x14: {  	s2 =	sld [smem:$0x3F9B];
	s0 =	simm.s32 @p1 $0x1  }
0x15: {  	[smem:$0x3FB8] =	sst s0;
	s0 =	simm.s32 @!p2 $0x0  }
0x16: {  	s3 =	sld [smem:$0x3FDB];
	s0 =	simm.s32 @p2 $0x1  }
0x17: {  	s4 =	simm.s32 $0x1BF5;
	[smem:$0x3FBA] =	sst s0  }
0x18: {  	s0 =	sld [smem:$0x3F9D];
	_ =	swait.ge [sflag:s4], $0x0  }
0x19: {  	s7 =	sld [smem:$0x3F9E]  }
0x1a: {  	s8 =	sadd.s32 $0xFFFFE003, lr  }
0x1b: {  	s9 =	sadd.s32 $0xFFFFFEF7, lr;
	s5 =	simm.s32 $0xFFFFFFFF;
	p2 =	slt.u32 s8, $0xFFFFF086  }
0x1c: {  	p1 =	slt.u32 s9, $0xF7A;
	s5 =	simm.s32 @!p2 $0x0  }
0x1d: {  	s5 =	simm.s32 @p1 $0x1;
	p0 =	seq.s32 s7, s2  }
0x1e: {  	s7 =	smul.u32 @!p0 $0xF7A, s2;
	p2 =	seq.s32 @!p0 s5, $0x0  }
0x1f: {  	s9 =	smul.u32 $0xF7A, s1;
	s8 =	simm.s32 @!p0 $0x1BF5;
	p2 =	por !p2, p0  }
0x20: {  	[sflag:s8] =	ssyncset.s32 @!p0 $0xFFFFF086;
	s6 =	sadd.s32 @!p0 s3, s7;
	s7 =	simm.s32 @!p0 $0x108  }
0x21: {  	s3 =	sadd.s32 s3, s9;
	s6 =	sadd.s32 @!p0 $0x88, s6;
	s7 =	simm.s32 @p2 $0x1082  }
0x22: {  	[simem:s7], [sflag:s8] =	dma.local @!p0 [hbm:s6], $0xF7A  }
0x23: {  	s9 =	sor.u32 $0xD0000000, s2;
	s6 =	simm.s32 $0x108;
	_ =	swait.ge @!p0 [sflag:s8], $0x0  }
0x24: {  	s3 =	sadd.s32 $0x88, s3;
	s6 =	simm.s32 @!p1 $0x1082;
	[sflag:s4] =	ssyncset.s32 $0xFFFFF086  }
0x25: {  	[simem:s6], [sflag:s4] =	dma.local [hbm:s3], $0xF7A  }
0x26: {  	[smem:$0x3F9E] =	sst s1;
	(tag) =	ssettag s2;
	_ =	strace s9  }
0x27: {  	s1 =	sld [smem:$0x3FAE]  }
0x28: {  	s2 =	sld [smem:$0x3FAF]  }
0x29: {  	s4 =	sld [smem:$0x3FB1]  }
0x2a: {  	p0 =	seq.s32 s5, $0x0;
	s5 =	sld [smem:$0x3FB2]  }
0x2b: {  	s6 =	sld [smem:$0x3FB3]  }
0x2c: {  	s7 =	sld [smem:$0x3FB4]  }
0x2d: {  	s3 =	simm.s32 $0x108;
	s8 =	sld [smem:$0x3FB5]  }
0x2e: {  	s3 =	simm.s32 @!p0 $0x1082;
	s9 =	sld [smem:$0x3FB6]  }
0x2f: {  	lr =	sadd.s32 s0, s3;
	s0 =	sld [smem:$0x3FAD]  }
0x30: {  	s3 =	sld [smem:$0x3FB0]  }
0x31: {  	[smem:$0x3FB9] =	sst s10  }
0x32: {  	s10 =	sld [smem:$0x3FB7];
	_ =	sdelay $0x3  }
0x33: {  	p0 =	seq.s32 s10, $0x1;
	s10 =	sld [smem:$0x3FB9];
	_ =	sdelay $0x3  }
0x34: {  	[smem:$0x3FB9] =	sst s10  }
0x35: {  	s10 =	sld [smem:$0x3FB8];
	_ =	sdelay $0x3  }
0x36: {  	p1 =	seq.s32 s10, $0x1;
	s10 =	sld [smem:$0x3FB9];
	_ =	sdelay $0x3  }
0x37: {  	[smem:$0x3FB9] =	sst s10  }
0x38: {  	s10 =	sld [smem:$0x3FBA]  }
0x39: {  	_ = 	snop;
	(pc) =	sbr.ind lr, $3  }
0x3a: {  	_ = 	snop  }
0x3b: {  	_ = 	snop  }
0x3c: {  	p2 =	seq.s32 s10, $0x1;
	s10 =	sld [smem:$0x3FB9]  }
0x3d: {  	_ =	shalt  }
0x3e: {  	_ =	shalt  }
0x3f: {  	_ =	shalt  }
0x40: {  	_ =	shalt  }
0x41: {  	_ =	shalt  }
0x42: {  	_ =	shalt  }
0x43: {  	_ =	shalt  }
0x44: {  	_ =	shalt  }
0x45: {  	_ =	shalt  }
0x46: {  	_ =	shalt  }
0x47: {  	_ =	shalt  }
0x48: {  	_ =	shalt  }
0x49: {  	_ =	shalt  }
0x4a: {  	_ =	shalt  }
0x4b: {  	_ =	shalt  }
0x4c: {  	_ =	shalt  }
0x4d: {  	_ =	shalt  }
0x4e: {  	_ =	shalt  }
0x4f: {  	_ =	shalt  }
0x50: {  	_ =	shalt  }
0x51: {  	_ =	shalt  }
0x52: {  	_ =	shalt  }
0x53: {  	_ =	shalt  }
0x54: {  	_ =	shalt  }
0x55: {  	_ =	shalt  }
0x56: {  	_ =	shalt  }
0x57: {  	_ =	shalt  }
0x58: {  	_ =	shalt  }
0x59: {  	_ =	shalt  }
0x5a: {  	_ =	shalt  }
0x5b: {  	_ =	shalt  }
0x5c: {  	_ =	shalt  }
0x5d: {  	_ =	shalt  }
0x5e: {  	_ =	shalt  }
0x5f: {  	_ =	shalt  }
0x60: {  	_ =	shalt  }
0x61: {  	_ =	shalt  }
0x62: {  	_ =	shalt  }
0x63: {  	_ =	shalt  }
0x64: {  	_ =	shalt  }
0x65: {  	_ =	shalt  }
0x66: {  	_ =	shalt  }
0x67: {  	_ =	shalt  }
0x68: {  	_ =	shalt  }
0x69: {  	_ =	shalt  }
0x6a: {  	_ =	shalt  }
0x6b: {  	_ =	shalt  }
0x6c: {  	_ =	shalt  }
0x6d: {  	_ =	shalt  }
0x6e: {  	_ =	shalt  }
0x6f: {  	_ =	shalt  }
0x70: {  	_ =	shalt  }
0x71: {  	_ =	shalt  }
0x72: {  	_ =	shalt  }
0x73: {  	_ =	shalt  }
0x74: {  	_ =	shalt  }
0x75: {  	_ =	shalt  }
0x76: {  	_ =	shalt  }
0x77: {  	_ =	shalt  }
0x78: {  	_ =	shalt  }
0x79: {  	_ =	shalt  }
0x7a: {  	_ =	shalt  }
0x7b: {  	_ =	shalt  }
0x7c: {  	_ =	shalt  }
0x7d: {  	_ =	shalt  }
0x7e: {  	_ =	shalt  }
0x7f: {  	_ =	shalt  }
0x80: {  	_ =	shalt  }
0x81: {  	_ =	shalt  }
0x82: {  	_ =	shalt  }
0x83: {  	_ =	shalt  }
0x84: {  	_ =	shalt  }
0x85: {  	_ =	shalt  }
0x86: {  	_ =	shalt  }
0x87: {  	_ =	shalt  }
.Lfunc_end0:
.L_simem_size_0:
called_computation_lowered:
.L_overlay_start_0:
0x88: {  	s2 =	sld [smem:$0x3FD9]  }
0x89: {  	s3 =	sld [smem:$0x3FFE];
	_ =	sdelay $0x1  }
0x8a: {  	s1 =	srdreg.scid  }
0x8b: {  	s0 =	sand.u32 $0x1, s1  }
0x8c: {  	s17 =	sshll.u32 s0, $0xA;
	s2 =	sadd.s32 s3, s2  }
0x8d: {  	s2 =	sadd.s32 s2, s17  }
0x8e: {  	[smem:$0x3FC5] =	sst s2  }
0x8f: {  	_ = 	snop  }
0x90: {  	s2 =	sld [smem:$0x3FC8];
	(tm) =	ssettm $0x1  }
0x91: {  	s18 =	sld [smem:$0x3FFB];
	_ =	sdelay $0x3  }
0x92: {  	_ =	strace s18  }
0x93: {  	s3 =	sld [smem:$0x3FFC];
	_ =	sdelay $0x3  }
0x94: {  	_ =	strace s3  }
0x95: {  	s3 =	sld [smem:$0x3FFD];
	_ =	sdelay $0x3  }
0x96: {  	_ =	strace s3  }
0x97: {  	_ =	strace $0x8FFFFFFF  }
0x98: {  	s19 =	sld [smem:$0x3FDB];
	_ =	sdelay $0x1  }
0x99: {  	s4 =	simm.s32 $_scs_section_size  }
0x9a: {  	s5 =	simm.s32 $_size__tile_overlayer_lowered;
	s6 =	simm.s32 $_tile_overlayer_lowered  }
0x9b: {  	s22 =	simm.s32 $0x1BFF;
	s21 =	sshll.u32 s6, $0x1;
	s3 =	sadd.s32 s4, s19  }
0x9c: {  	s7 =	simm.s32 $0x0;
	s20 =	sshll.u32 s5, $0x1;
	s5 =	sadd.s32 s21, s3  }
0x9d: {  	[timem:s7], [sflag:s22] =	dma.local [hbm:s5], s20  }
0x9e: {  	_ =	swait.ge [sflag:s22], s20  }
0x9f: {  	s4 =	ssub.s32 $0x0, s20;
	[sflag:s22] =	ssyncset.done $0x0  }
0xa0: {  	[sflag:s22] =	ssyncadd.s32 s4;
	_ =	sdelay $0x1  }
0xa1: {  	s23 =	simm.s32 $0x1B8B  }
0xa2: {  	_ =	swait.ge [sflag:s23], $0x1  }
0xa3: {  	[sflag:s23] =	ssyncset.done $0x0  }
0xa4: {  	s25 =	simm.s32 $0x1B8E;
	s24 =	sld [smem:$0x3FFE];
	[sflag:s23] =	ssyncadd.s32 $0xFFFFFFFF  }
0xa5: {  	s26 =	simm.s32 $execute0_lowered;
	[smem:$0x3FD2] =	sst s25  }
0xa6: {  	s5 =	sshll.u32 s26, $0x1;
	_ =	strace $0x80000046;
	[dreg:$0x1] =	wrdreg $0xFFFFFFFF  }
0xa7: {  	s28 =	simm.s32 $_size_execute0_lowered;
	s3 =	sadd.s32 s3, s5;
	[dreg:$0x0] =	wrdreg $0x0  }
0xa8: {  	s5 =	sshll.u32 s28, $0x1;
	[dreg:$0x2] =	wrdreg s3  }
0xa9: {  	[dreg:$0x3] =	wrdreg s5  }
0xaa: {  	[dreg:$0x4] =	wrdreg $0xC0  }
0xab: {  	_ =	task [dreg:s7], $0x5FFFF  }
0xac: {  	[dreg:$0x1] =	wrdreg $0xFFFFFFFF  }
0xad: {  	[dreg:$0x0] =	wrdreg $0x60  }
0xae: {  	[dreg:$0x2] =	wrdreg s24  }
0xaf: {  	[dreg:$0x3] =	wrdreg s2  }
0xb0: {  	[dreg:$0x4] =	wrdreg $0x9  }
0xb1: {  	_ =	task.clear_ibuf [dreg:s7], $0x5FFFF;
	_ =	strace $0x90000046  }
0xb2: {  	s29 =	simm.s32 $0x9;
	_ =	strace $0x80000048  }
0xb3: {  	_ =	swait.ge [sflag:s29], $0x1  }
0xb4: {  	[sflag:s29] =	ssyncadd.s32 $0xFFFFFFFF  }
0xb5: {  	_ =	strace $0x90000048  }
0xb6: {  	_ =	sfence  }
0xb7: {  	s30 =	sld [smem:$0x0];
	_ =	sdelay $0x2  }
0xb8: {  	s31 =	sshll.u32 s1, $0xD;
	s1 =	sshrl.u32 s1, $0x2  }
0xb9: {  	s3 =	sand.u32 $0x4000, s31;
	s1 =	sadd.s32 s1, s30  }
0xba: {  	s0 =	sor.u32 s3, s0;
	s1 =	sshll.u32 s1, $0x11  }
0xbb: {  	s0 =	sor.u32 s1, s0  }
0xbc: {  	s0 =	sadd.s32 $0x8F2B, s0  }
0xbd: {  	[sflag:s0] =	ssyncadd.remote.s32 $0x1  }
0xbe: {  	_ =	sfence.sel $0xFFFF  }
0xbf: {  	[dreg:$0x0] =	wrdreg $0xFFFFFFFF;
	(pc) =	sbr.abs _section_cstart, $3  }
0xc0: {  	[dreg:$0x1] =	wrdreg $0xFFFFFFFF  }
0xc1: {  	_ =	task.clear_ibuf [dreg:s7], $0x2FFFF;
	_ =	strace $0x9FFFFFFF  }
0xc2: {  	(tm) =	ssettm $0x7FFFFFFF  }
0xc3: {  	_ =	shalt  }
tec
execute0_lowered:
.L_overlay_start_1:
0x0: {  	(tag) =	ssettag $0x1  }
0x1: {  	s0 =	rddreg [dreg:$0x0]  }
0x2: {  	s1 =	srdreg.scid;
	s2 =	stileid.u32;
	s3 =	simm.s32 $0x0  }
0x3: {  	s8 =	simm.s32 $0x2;
	s9 =	simm.s32 $0x80;
	s11 =	simm.s32 $0xC00  }
0x4: {  	s29 =	simm.s32 $0x880;
	s30 =	simm.s32 $0x1080;
	s31 =	simm.s32 $0x900  }
0x5: {  	s10 =	simm.s32 $0xA00;
	s12 =	simm.s32 $0x1200;
	s13 =	simm.s32 $0xA80  }
0x6: {  	s14 =	simm.s32 $0x1280;
	s15 =	simm.s32 $0xB00;
	s16 =	simm.s32 $0x1300  }
0x7: {  	s17 =	simm.s32 $0xB80;
	s18 =	simm.s32 $0x1380;
	s19 =	simm.s32 $0x1  }
0x8: {  	s20 =	simm.s32 $0x0;
	s1 =	sand.u32 $0x1, s1;
	s2 =	sshll.u32 s2, $0x1  }
0x9: {  	[smem:$0x7FF] =	sst s3;
	s2 =	sor.u32 s1, s2;
	s1 =	ssub.s32 $0x2, s1  }
0xa: {  	s4 =	sadd.s32 $0x800, s0;
	s5 =	sshll.u32 s2, $0x8;
	s6 =	sshrl.u32 s1, $0x1  }
0xb: {  	_ =	strace $0x80000047;
	s0 =	sadd.s32 s5, s0;
	s1 =	ssub.s32 s1, s6  }
0xc: {  	s5 =	sshll.u32 s2, $0x1;
	s2 =	simm.s32 $0x1180;
	s6 =	sadd.s32 $0xC3E00, s0  }
0xd: {  	s7 =	smax.u32 s1, $0x1;
	s0 =	simm.s32 $0x1100;
	s1 =	simm.s32 $0x980  }
.LBB2_1:
0xe: {  	s21 =	rddreg [dreg:$0x1]  }
0xf: {  	[tilespmem:s3], [sflag:$0x2] =	stream.linear.gather [hbm4b:s21+s3], $0x400, $0x38;
	[tilespmem:$0x1400] =	vst v63  }
0x10: {  	_ =	swait.ge [sflag:s8], $0x400  }
0x11: {  	[sflag:s8] =	ssyncset.done $0x0  }
0x12: {  	s26 =	sand.u32 $0x3F0, s3;
	[sflag:s8] =	ssyncadd.s32 $0xFFFFFC00  }
0x13: {  	v0 =	vld [tilespmem:s26+$0x0];
	_ =	sdelay $0x1  }
0x14: {  	s28 =	sadd.s32 $0x0, s5  }
0x15: {  	s22 =	sand.u32 $0x1E00, s3;
	s21 =	smul.u32 $0x186A0, s28  }
0x16: {  	s23 =	sand.u32 $0x70, s3;
	s24 =	sshrl.u32 s22, $0x2  }
0x17: {  	s22 =	simm.s32 $0x1;
	s23 =	sor.u32 s23, s24;
	v0 =	vadd.s32 s21, v0;
	s21 =	simm.s32 $0x10  }
0x18: {  	s24 =	simm.s32 $0x2;
	s25 =	sand.u32 $0x3F0, s21;
	[tilespmem:s23+$0x400] =	vst v0;
	s23 =	simm.s32 $0x0  }
.LBB2_2:
0x19: {  	p0 =	sne.s32 s24, $0x7F;
	v0 =	vld [tilespmem:s25+$0x0]  }
0x1a: {  	s25 =	sshrl.u32 s22, $0x6;
	s22 =	smov.u32 s24  }
.Ltmp0:
0x1b: {  	s23 =	sadd.s32 $0x40, s23;
	s25 =	sadd.s32 s5, s25;
	(pc) =	sbr.rel @p0 .LBB2_2-.Ltmp0, $4  }
0x1c: {  	s26 =	sand.u32 $0x1E00, s23;
	s25 =	smul.u32 $0x186A0, s25  }
0x1d: {  	s28 =	sand.u32 $0x70, s21;
	s26 =	sshrl.u32 s26, $0x2  }
0x1e: {  	s21 =	sadd.s32 $0x10, s21;
	s26 =	sor.u32 s28, s26;
	v0 =	vadd.s32 s25, v0  }
0x1f: {  	s24 =	sadd.s32 $0x1, s24;
	s25 =	sand.u32 $0x3F0, s21;
	[tilespmem:s26+$0x400] =	vst v0  }
0x20: {  	v0 =	vld [tilespmem:s25+$0x0]  }
0x21: {  	s22 =	sshrl.u32 s22, $0x6  }
0x22: {  	s23 =	sadd.s32 $0x40, s23;
	s22 =	sadd.s32 s5, s22  }
0x23: {  	s23 =	sand.u32 $0x1E00, s23;
	s22 =	smul.u32 $0x186A0, s22  }
0x24: {  	s21 =	sand.u32 $0x70, s21;
	s23 =	sshrl.u32 s23, $0x2  }
0x25: {  	s21 =	sor.u32 s21, s23;
	v0 =	vadd.s32 s22, v0  }
0x26: {  	s23 =	simm.s32 $0x400;
	[tilespmem:s21+$0x400] =	vst v0  }
0x27: {  	[tilespmem:s11], [sflag:$0x1] =	stream.indirect.gather [hbm4b:s4+s9], $0x1, s23, s9, $0xb8;
	[tilespmem:$0x1400] =	vst v63  }
0x28: {  	s24 =	simm.s32 $0x480;
	s25 =	simm.s32 $0xC80  }
0x29: {  	[tilespmem:s25], [sflag:$0x1] =	stream.indirect.gather [hbm4b:s4+s9], $0x1, s24, s9, $0xb8;
	[tilespmem:$0x1400] =	vst v63  }
0x2a: {  	s26 =	simm.s32 $0x500;
	s28 =	simm.s32 $0xD00  }
0x2b: {  	[tilespmem:s28], [sflag:$0x1] =	stream.indirect.gather [hbm4b:s4+s9], $0x1, s26, s9, $0xb8;
	[tilespmem:$0x1400] =	vst v63  }
0x2c: {  	s22 =	simm.s32 $0x580;
	s23 =	simm.s32 $0xD80  }
0x2d: {  	[tilespmem:s23], [sflag:$0x1] =	stream.indirect.gather [hbm4b:s4+s9], $0x1, s22, s9, $0xb8;
	[tilespmem:$0x1400] =	vst v63  }
0x2e: {  	s24 =	simm.s32 $0x600;
	s25 =	simm.s32 $0xE00  }
0x2f: {  	[tilespmem:s25], [sflag:$0x1] =	stream.indirect.gather [hbm4b:s4+s9], $0x1, s24, s9, $0xb8;
	[tilespmem:$0x1400] =	vst v63  }
0x30: {  	s26 =	simm.s32 $0x680;
	s28 =	simm.s32 $0xE80  }
0x31: {  	[tilespmem:s28], [sflag:$0x1] =	stream.indirect.gather [hbm4b:s4+s9], $0x1, s26, s9, $0xb8;
	[tilespmem:$0x1400] =	vst v63  }
0x32: {  	s22 =	simm.s32 $0x700;
	s23 =	simm.s32 $0xF00  }
0x33: {  	[tilespmem:s23], [sflag:$0x1] =	stream.indirect.gather [hbm4b:s4+s9], $0x1, s22, s9, $0xb8;
	[tilespmem:$0x1400] =	vst v63  }
0x34: {  	s24 =	simm.s32 $0x780;
	s25 =	simm.s32 $0xF80  }
0x35: {  	[tilespmem:s25], [sflag:$0x1] =	stream.indirect.gather [hbm4b:s4+s9], $0x1, s24, s9, $0xb8;
	[tilespmem:$0x1400] =	vst v63  }
0x36: {  	s26 =	simm.s32 $0x800;
	s28 =	simm.s32 $0x1000  }
0x37: {  	[tilespmem:s28], [sflag:$0x1] =	stream.indirect.gather [hbm4b:s4+s9], $0x1, s26, s9, $0xb8;
	[tilespmem:$0x1400] =	vst v63  }
0x38: {  	_ = 	snop  }
0x39: {  	[tilespmem:s30], [sflag:$0x1] =	stream.indirect.gather [hbm4b:s4+s9], $0x1, s29, s9, $0xb8;
	[tilespmem:$0x1400] =	vst v63  }
0x3a: {  	_ = 	snop  }
0x3b: {  	[tilespmem:s0], [sflag:$0x1] =	stream.indirect.gather [hbm4b:s4+s9], $0x1, s31, s9, $0xb8;
	[tilespmem:$0x1400] =	vst v63  }
0x3c: {  	_ = 	snop  }
0x3d: {  	[tilespmem:s2], [sflag:$0x1] =	stream.indirect.gather [hbm4b:s4+s9], $0x1, s1, s9, $0xb8;
	[tilespmem:$0x1400] =	vst v63  }
0x3e: {  	_ = 	snop  }
0x3f: {  	[tilespmem:s12], [sflag:$0x1] =	stream.indirect.gather [hbm4b:s4+s9], $0x1, s10, s9, $0xb8;
	[tilespmem:$0x1400] =	vst v63  }
0x40: {  	_ = 	snop  }
0x41: {  	[tilespmem:s14], [sflag:$0x1] =	stream.indirect.gather [hbm4b:s4+s9], $0x1, s13, s9, $0xb8;
	[tilespmem:$0x1400] =	vst v63  }
0x42: {  	_ = 	snop  }
0x43: {  	[tilespmem:s16], [sflag:$0x1] =	stream.indirect.gather [hbm4b:s4+s9], $0x1, s15, s9, $0xb8;
	[tilespmem:$0x1400] =	vst v63  }
0x44: {  	_ = 	snop  }
0x45: {  	[tilespmem:s18], [sflag:$0x1] =	stream.indirect.gather [hbm4b:s4+s9], $0x1, s17, s9, $0xb8;
	[tilespmem:$0x1400] =	vst v63  }
0x46: {  	_ =	swait.ge [sflag:s19], $0x80  }
0x47: {  	[sflag:s19] =	ssyncset.done $0x0  }
0x48: {  	[sflag:s19] =	ssyncadd.s32 $0xFFFFFF80  }
0x49: {  	_ =	swait.ge [sflag:s19], $0x80  }
0x4a: {  	[sflag:s19] =	ssyncset.done $0x0  }
0x4b: {  	[sflag:s19] =	ssyncadd.s32 $0xFFFFFF80  }
0x4c: {  	_ =	swait.ge [sflag:s19], $0x80  }
0x4d: {  	[sflag:s19] =	ssyncset.done $0x0  }
0x4e: {  	[sflag:s19] =	ssyncadd.s32 $0xFFFFFF80  }
0x4f: {  	_ =	swait.ge [sflag:s19], $0x80  }
0x50: {  	[sflag:s19] =	ssyncset.done $0x0  }
0x51: {  	[sflag:s19] =	ssyncadd.s32 $0xFFFFFF80  }
0x52: {  	_ =	swait.ge [sflag:s19], $0x80  }
0x53: {  	[sflag:s19] =	ssyncset.done $0x0  }
0x54: {  	[sflag:s19] =	ssyncadd.s32 $0xFFFFFF80  }
0x55: {  	_ =	swait.ge [sflag:s19], $0x80  }
0x56: {  	[sflag:s19] =	ssyncset.done $0x0  }
0x57: {  	[sflag:s19] =	ssyncadd.s32 $0xFFFFFF80  }
0x58: {  	_ =	swait.ge [sflag:s19], $0x80  }
0x59: {  	[sflag:s19] =	ssyncset.done $0x0  }
0x5a: {  	[sflag:s19] =	ssyncadd.s32 $0xFFFFFF80  }
0x5b: {  	_ =	swait.ge [sflag:s19], $0x80  }
0x5c: {  	[sflag:s19] =	ssyncset.done $0x0  }
0x5d: {  	[sflag:s19] =	ssyncadd.s32 $0xFFFFFF80  }
0x5e: {  	_ =	swait.ge [sflag:s19], $0x80  }
0x5f: {  	[sflag:s19] =	ssyncset.done $0x0  }
0x60: {  	[sflag:s19] =	ssyncadd.s32 $0xFFFFFF80  }
0x61: {  	_ =	swait.ge [sflag:s19], $0x80  }
0x62: {  	[sflag:s19] =	ssyncset.done $0x0  }
0x63: {  	[sflag:s19] =	ssyncadd.s32 $0xFFFFFF80  }
0x64: {  	_ =	swait.ge [sflag:s19], $0x80  }
0x65: {  	[sflag:s19] =	ssyncset.done $0x0  }
0x66: {  	[sflag:s19] =	ssyncadd.s32 $0xFFFFFF80  }
0x67: {  	_ =	swait.ge [sflag:s19], $0x80  }
0x68: {  	[sflag:s19] =	ssyncset.done $0x0  }
0x69: {  	[sflag:s19] =	ssyncadd.s32 $0xFFFFFF80  }
0x6a: {  	_ =	swait.ge [sflag:s19], $0x80  }
0x6b: {  	[sflag:s19] =	ssyncset.done $0x0  }
0x6c: {  	[sflag:s19] =	ssyncadd.s32 $0xFFFFFF80  }
0x6d: {  	_ =	swait.ge [sflag:s19], $0x80  }
0x6e: {  	[sflag:s19] =	ssyncset.done $0x0  }
0x6f: {  	[sflag:s19] =	ssyncadd.s32 $0xFFFFFF80  }
0x70: {  	_ =	swait.ge [sflag:s19], $0x80  }
0x71: {  	[sflag:s19] =	ssyncset.done $0x0  }
0x72: {  	[sflag:s19] =	ssyncadd.s32 $0xFFFFFF80  }
0x73: {  	s20 =	sadd.s32 $0x1, s20;
	_ =	swait.ge [sflag:s19], $0x80  }
0x74: {  	p0 =	sne.s32 s20, s7;
	[sflag:s19] =	ssyncset.done $0x0  }
.Ltmp1:
0x75: {  	[sflag:s19] =	ssyncadd.s32 $0xFFFFFF80;
	(pc) =	sbr.rel @p0 .LBB2_1-.Ltmp1, $4  }
0x76: {  	[hbm4b:s6+s3] =	stream.linear.scatter [tilespmem:s11], [sflag:$0x2], $0x800, $0x38;
	[tilespmem:$0x1400] =	vst v63  }
0x77: {  	_ =	swait.ge [sflag:s8], $0x800  }
0x78: {  	[sflag:s8] =	ssyncset.done $0x0  }
0x79: {  	[sflag:s8] =	ssyncadd.s32 $0xFFFFF800  }
0x7a: {  	_ =	sfence.sel $0x180000  }
0x7b: {  	[bflag:$0x0] =	sbarrier.arrive $0xFFFF  }
0x7c: {  	_ =	strace $0x90000047  }
0x7d: {  	s0 =	stileid.u32;
	[bflag:$0x2] =	sbarrier.arrive $0xFFFF  }
0x7e: {  	p0 =	sne.s32 s0, $0x0;
	s0 =	rddreg [dreg:$0x2]  }
0x7f: {  	s0 =	sadd.s32 @!p0 $0x100000, s0  }
0x80: {  	[sflag:s0] =	ssyncadd.tile.s32 @!p0 $0x1;
	_ =	shalt  }
.Lfunc_end2:
_tile_overlayer_lowered:
.L_overlay_start_2:
0x81: {  	(tag) =	ssettag $0x2  }
0x82: {  	s0 =	rddreg [dreg:$0x0];
	s2 =	stileid.u32  }
0x83: {  	s1 =	rddreg [dreg:$0x1];
	p0 =	sne.s32 s2, $0x0  }
0x84: {  	s3 =	rddreg [dreg:$0x2];
	[bflag:$0x3] =	sbarrier.arrive $0xFFFF;
	s2 =	simm.s32 @!p0 $0x1C02  }
0x85: {  	[timem:s3], [sflag:s2] =	dma.local @!p0 [hbm:s0], s1  }
0x86: {  	s0 =	simm.s32 @!p0 $0x2  }
0x87: {  	_ =	swait.ge @!p0 [sflag:s0], s1  }
0x88: {  	s1 =	ssub.s32 @!p0 $0x0, s1;
	[sflag:s0] =	ssyncset.done @!p0 $0x0  }
0x89: {  	[sflag:s0] =	ssyncadd.s32 @!p0 s1  }
0x8a: {  	[bflag:$0x3] =	sbarrier.arrive $0xFFFF  }
0x8b: {  	_ =	shalt  }

</sc_bundles>
